<compile_context>
chip_gen: v7x
topology: tpu7x:2x2x1
jax: 0.10.2.dev20260603
libtpu: 0.0.44.dev20260713+nightly
codegen_flags: <defaults>
</compile_context>

<pallas_src>
import functools

import jax
import jax.numpy as jnp
from jax import lax
from jax.experimental import pallas as pl
from jax.experimental.pallas import tpu as pltpu
from jax.experimental.pallas import tpu_sc as plsc

_B = 16384
_NC, _NS = 2, 16
_NW = _NC * _NS
_CHUNK = _B // _NW


def _sc_body(steps_hbm, betas_hbm, out_hbm, buf_v):
    wid = lax.axis_index("s") * _NC + lax.axis_index("c")
    base = wid * _CHUNK
    pltpu.sync_copy(buf_v, out_hbm.at[pl.ds(0, 1), pl.ds(base, _CHUNK)])


_sc_probe = functools.partial(
    pl.kernel,
    mesh=plsc.VectorSubcoreMesh(core_axis_name="c", subcore_axis_name="s"),
    compiler_params=pltpu.CompilerParams(needs_layout_passes=False),
    out_type=jax.ShapeDtypeStruct((3, _B), jnp.float32),
    scratch_types=[
        pltpu.VMEM((1, _CHUNK), jnp.float32),
    ],
)(_sc_body)


def kernel(num_steps, betas):
    return _sc_probe(num_steps.astype(jnp.int32), betas)

# --- scband reference (transcript-rebuilt; emitter-appended) ---
"""Pipeline reference for scband-noise-schedule-8538394985056 (READ-ONLY COPY).

The authoritative reference and input builder live on the scoring server;
editing this copy changes nothing except your own understanding.
"""

import jax, jax.numpy as jnp
import numpy as np

MAX_STEPS = 1000
MIN_NOISE = 0.0001
MAX_NOISE = 0.02
BATCH = 16384


def setup_inputs(seed: int = 0) -> dict:
    key = jax.random.key(seed)
    k_idx = jax.random.fold_in(key, 1)
    num_steps = jax.random.randint(k_idx, (BATCH,), 0, MAX_STEPS, dtype=jnp.int64 if jax.config.jax_enable_x64 else jnp.int32)
    # buffers of the NoiseSchedule module (registered buffers, derived from linspace)
    betas = jnp.linspace(MIN_NOISE, MAX_NOISE, MAX_STEPS, dtype=jnp.float32)
    return {"num_steps": num_steps, "betas": betas}


def reference(num_steps, betas):
    # Faithful translation of NoiseSchedule: derive alphas and alpha_bars from betas
    # exactly as __init__ does, then perform the index lookups that
    # beta()/alpha()/alpha_bar() perform (table[num_steps] gathers).
    alphas = 1.0 - betas
    alpha_bars = jnp.cumprod(alphas, axis=-1)
    beta_out = jnp.take(betas, num_steps, axis=0)
    alpha_out = jnp.take(alphas, num_steps, axis=0)
    alpha_bar_out = jnp.take(alpha_bars, num_steps, axis=0)
    return jnp.stack([beta_out, alpha_out, alpha_bar_out], axis=0)

if __name__ == "__main__":
    import jax
    _d = setup_inputs()
    print(jax.jit(kernel)(*tuple(_d.values())))

</pallas_src>

<mosaic_0001>
#map = affine_map<(d0, d1) -> (0)>
#map1 = affine_map<(d0, d1) -> (0, 0)>
module attributes {stable_mosaic.version = 14 : i64} {
  func.func @_sc_body(%arg0: i32, %arg1: i32, %arg2: memref<16384xi32, #tpu.memory_space<hbm>>, %arg3: memref<1000xf32, #tpu.memory_space<hbm>>, %arg4: memref<3x16384xf32, #tpu.memory_space<hbm>>, %arg5: memref<1x512xf32, #tpu.memory_space<vmem>>) attributes {dimension_semantics = [#tpu.dimension_semantics<core_parallel>, #tpu.dimension_semantics<subcore_parallel>], iteration_bounds = array<i64: 2, 16>, scalar_prefetch = 0 : i64, scratch_operands = 1 : i64, tpu.core_type = #tpu.core_type<sc_vector_subcore>, window_params = [{transform_indices = #map}, {transform_indices = #map}, {transform_indices = #map1}]} {
    %mul3A = arith.constant 2 : i32
    %mul3A_0 = arith.muli %arg1, %mul3A : i32
    %add3A = arith.addi %mul3A_0, %arg0 : i32
    %mul3A_1 = arith.constant 512 : i32
    %mul3A_2 = arith.muli %add3A, %mul3A_1 : i32
    "tpu.region"() ({
      %run_scoped3A = tpu.sem_alloc : memref<!tpu.dma_semaphore, #tpu.memory_space<semaphore_mem>>
      %dma_start3A = arith.constant 0 : i32
      %dma_start3A_3 = tpu.memref_slice %arg4[%dma_start3A, %mul3A_2] : memref<3x16384xf32, #tpu.memory_space<hbm>> -> memref<1x512xf32, #tpu.memory_space<hbm>>
      %dma_start3A_4 = arith.constant 0 : i32
      %dma_start3A_5 = tpu.memref_slice %arg4[%dma_start3A_4, %mul3A_2] : memref<3x16384xf32, #tpu.memory_space<hbm>> -> memref<1x512xf32, #tpu.memory_space<hbm>>
      tpu.enqueue_dma source(%arg5 : memref<1x512xf32, #tpu.memory_space<vmem>>) target(%dma_start3A_5 : memref<1x512xf32, #tpu.memory_space<hbm>>) target_semaphore(%run_scoped3A : memref<!tpu.dma_semaphore, #tpu.memory_space<semaphore_mem>>)
      %dma_wait3A = arith.constant 0 : i32
      %dma_wait3A_6 = tpu.memref_slice %arg4[%dma_wait3A, %mul3A_2] : memref<3x16384xf32, #tpu.memory_space<hbm>> -> memref<1x512xf32, #tpu.memory_space<hbm>>
      %dma_wait3A_7 = arith.constant 0 : i32
      %dma_wait3A_8 = tpu.memref_slice %arg4[%dma_wait3A_7, %mul3A_2] : memref<3x16384xf32, #tpu.memory_space<hbm>> -> memref<1x512xf32, #tpu.memory_space<hbm>>
      tpu.wait_dma2 semaphore(%run_scoped3A : memref<!tpu.dma_semaphore, #tpu.memory_space<semaphore_mem>>) src(%arg5 : memref<1x512xf32, #tpu.memory_space<vmem>>) dst(%dma_wait3A_8 : memref<1x512xf32, #tpu.memory_space<hbm>>)
      tpu.yield
    }) : () -> ()
    return
  }
}

</mosaic_0001>

<sc_bundles>
// kernel: kernel.3.cloned.1.call-start
scs
__scs_entry_jumppad:
0x0: {  	(pc) =	sbr.rel $0x88, $3  }
0x1: {  	(tag) =	ssettag $0x0;
	lr =	simm.s32 $0x1  }
0x2: {  	[smem:$0x3F9F] =	sst lr;
	_ =	strace $0xD0000000  }
0x3: {  	_ = 	snop  }
0x4: {  	_ = 	snop  }
0x5: {  	_ = 	snop  }
0x6: {  	_ = 	snop  }
0x7: {  	_ = 	snop  }
__scs_overlays_trampoline_lowered:
0x8: {  	[smem:$0x3FAE] =	sst s0  }
0x9: {  	[smem:$0x3FAF] =	sst s1  }
0xa: {  	[smem:$0x3FB0] =	sst s2  }
0xb: {  	[smem:$0x3FB1] =	sst s3  }
0xc: {  	[smem:$0x3FB2] =	sst s4  }
0xd: {  	[smem:$0x3FB3] =	sst s5  }
0xe: {  	[smem:$0x3FB4] =	sst s6  }
0xf: {  	[smem:$0x3FB5] =	sst s7  }
0x10: {  	[smem:$0x3FB6] =	sst s8  }
0x11: {  	[smem:$0x3FB7] =	sst s9;
	s0 =	simm.s32 @!p0 $0x0  }
0x12: {  	s1 =	sld [smem:$0x3F9D];
	s0 =	simm.s32 @p0 $0x1  }
0x13: {  	[smem:$0x3FB8] =	sst s0;
	s0 =	simm.s32 @!p1 $0x0  }
0x14: {  	s2 =	sld [smem:$0x3F9C];
	s0 =	simm.s32 @p1 $0x1  }
0x15: {  	[smem:$0x3FB9] =	sst s0;
	s0 =	simm.s32 @!p2 $0x0  }
0x16: {  	s3 =	sld [smem:$0x3FDB];
	s0 =	simm.s32 @p2 $0x1  }
0x17: {  	s4 =	simm.s32 $0x1BF5;
	[smem:$0x3FBB] =	sst s0  }
0x18: {  	s0 =	sld [smem:$0x3F9E];
	_ =	swait.ge [sflag:s4], $0x0  }
0x19: {  	s7 =	sld [smem:$0x3F9F]  }
0x1a: {  	s8 =	sadd.s32 $0xFFFFE003, lr  }
0x1b: {  	s9 =	sadd.s32 $0xFFFFFEF7, lr;
	s5 =	simm.s32 $0xFFFFFFFF;
	p2 =	slt.u32 s8, $0xFFFFF086  }
0x1c: {  	p1 =	slt.u32 s9, $0xF7A;
	s5 =	simm.s32 @!p2 $0x0  }
0x1d: {  	s5 =	simm.s32 @p1 $0x1;
	p0 =	seq.s32 s7, s2  }
0x1e: {  	s7 =	smul.u32 @!p0 $0xF7A, s2;
	p2 =	seq.s32 @!p0 s5, $0x0  }
0x1f: {  	s9 =	smul.u32 $0xF7A, s1;
	s8 =	simm.s32 @!p0 $0x1BF5;
	p2 =	por !p2, p0  }
0x20: {  	[sflag:s8] =	ssyncset.s32 @!p0 $0xFFFFF086;
	s6 =	sadd.s32 @!p0 s3, s7;
	s7 =	simm.s32 @!p0 $0x108  }
0x21: {  	s3 =	sadd.s32 s3, s9;
	s6 =	sadd.s32 @!p0 $0x88, s6;
	s7 =	simm.s32 @p2 $0x1082  }
0x22: {  	[simem:s7], [sflag:s8] =	dma.local @!p0 [hbm:s6], $0xF7A  }
0x23: {  	s9 =	sor.u32 $0xD0000000, s2;
	s6 =	simm.s32 $0x108;
	_ =	swait.ge @!p0 [sflag:s8], $0x0  }
0x24: {  	s3 =	sadd.s32 $0x88, s3;
	s6 =	simm.s32 @!p1 $0x1082;
	[sflag:s4] =	ssyncset.s32 $0xFFFFF086  }
0x25: {  	[simem:s6], [sflag:s4] =	dma.local [hbm:s3], $0xF7A  }
0x26: {  	[smem:$0x3F9F] =	sst s1;
	(tag) =	ssettag s2;
	_ =	strace s9  }
0x27: {  	s1 =	sld [smem:$0x3FAF]  }
0x28: {  	s2 =	sld [smem:$0x3FB0]  }
0x29: {  	s4 =	sld [smem:$0x3FB2]  }
0x2a: {  	p0 =	seq.s32 s5, $0x0;
	s5 =	sld [smem:$0x3FB3]  }
0x2b: {  	s6 =	sld [smem:$0x3FB4]  }
0x2c: {  	s7 =	sld [smem:$0x3FB5]  }
0x2d: {  	s3 =	simm.s32 $0x108;
	s8 =	sld [smem:$0x3FB6]  }
0x2e: {  	s3 =	simm.s32 @!p0 $0x1082;
	s9 =	sld [smem:$0x3FB7]  }
0x2f: {  	lr =	sadd.s32 s0, s3;
	s0 =	sld [smem:$0x3FAE]  }
0x30: {  	s3 =	sld [smem:$0x3FB1]  }
0x31: {  	[smem:$0x3FBA] =	sst s10  }
0x32: {  	s10 =	sld [smem:$0x3FB8];
	_ =	sdelay $0x3  }
0x33: {  	p0 =	seq.s32 s10, $0x1;
	s10 =	sld [smem:$0x3FBA];
	_ =	sdelay $0x3  }
0x34: {  	[smem:$0x3FBA] =	sst s10  }
0x35: {  	s10 =	sld [smem:$0x3FB9];
	_ =	sdelay $0x3  }
0x36: {  	p1 =	seq.s32 s10, $0x1;
	s10 =	sld [smem:$0x3FBA];
	_ =	sdelay $0x3  }
0x37: {  	[smem:$0x3FBA] =	sst s10  }
0x38: {  	s10 =	sld [smem:$0x3FBB]  }
0x39: {  	_ = 	snop;
	(pc) =	sbr.ind lr, $3  }
0x3a: {  	_ = 	snop  }
0x3b: {  	_ = 	snop  }
0x3c: {  	p2 =	seq.s32 s10, $0x1;
	s10 =	sld [smem:$0x3FBA]  }
0x3d: {  	_ =	shalt  }
0x3e: {  	_ =	shalt  }
0x3f: {  	_ =	shalt  }
0x40: {  	_ =	shalt  }
0x41: {  	_ =	shalt  }
0x42: {  	_ =	shalt  }
0x43: {  	_ =	shalt  }
0x44: {  	_ =	shalt  }
0x45: {  	_ =	shalt  }
0x46: {  	_ =	shalt  }
0x47: {  	_ =	shalt  }
0x48: {  	_ =	shalt  }
0x49: {  	_ =	shalt  }
0x4a: {  	_ =	shalt  }
0x4b: {  	_ =	shalt  }
0x4c: {  	_ =	shalt  }
0x4d: {  	_ =	shalt  }
0x4e: {  	_ =	shalt  }
0x4f: {  	_ =	shalt  }
0x50: {  	_ =	shalt  }
0x51: {  	_ =	shalt  }
0x52: {  	_ =	shalt  }
0x53: {  	_ =	shalt  }
0x54: {  	_ =	shalt  }
0x55: {  	_ =	shalt  }
0x56: {  	_ =	shalt  }
0x57: {  	_ =	shalt  }
0x58: {  	_ =	shalt  }
0x59: {  	_ =	shalt  }
0x5a: {  	_ =	shalt  }
0x5b: {  	_ =	shalt  }
0x5c: {  	_ =	shalt  }
0x5d: {  	_ =	shalt  }
0x5e: {  	_ =	shalt  }
0x5f: {  	_ =	shalt  }
0x60: {  	_ =	shalt  }
0x61: {  	_ =	shalt  }
0x62: {  	_ =	shalt  }
0x63: {  	_ =	shalt  }
0x64: {  	_ =	shalt  }
0x65: {  	_ =	shalt  }
0x66: {  	_ =	shalt  }
0x67: {  	_ =	shalt  }
0x68: {  	_ =	shalt  }
0x69: {  	_ =	shalt  }
0x6a: {  	_ =	shalt  }
0x6b: {  	_ =	shalt  }
0x6c: {  	_ =	shalt  }
0x6d: {  	_ =	shalt  }
0x6e: {  	_ =	shalt  }
0x6f: {  	_ =	shalt  }
0x70: {  	_ =	shalt  }
0x71: {  	_ =	shalt  }
0x72: {  	_ =	shalt  }
0x73: {  	_ =	shalt  }
0x74: {  	_ =	shalt  }
0x75: {  	_ =	shalt  }
0x76: {  	_ =	shalt  }
0x77: {  	_ =	shalt  }
0x78: {  	_ =	shalt  }
0x79: {  	_ =	shalt  }
0x7a: {  	_ =	shalt  }
0x7b: {  	_ =	shalt  }
0x7c: {  	_ =	shalt  }
0x7d: {  	_ =	shalt  }
0x7e: {  	_ =	shalt  }
0x7f: {  	_ =	shalt  }
0x80: {  	_ =	shalt  }
0x81: {  	_ =	shalt  }
0x82: {  	_ =	shalt  }
0x83: {  	_ =	shalt  }
0x84: {  	_ =	shalt  }
0x85: {  	_ =	shalt  }
0x86: {  	_ =	shalt  }
0x87: {  	_ =	shalt  }
.Lfunc_end0:
.L_simem_size_0:
called_computation_lowered:
.L_overlay_start_0:
0x88: {  	s2 =	sld [smem:$0x3FD9]  }
0x89: {  	s3 =	sld [smem:$0x3FFE];
	_ =	sdelay $0x1  }
0x8a: {  	s1 =	srdreg.scid  }
0x8b: {  	s0 =	sand.u32 $0x1, s1  }
0x8c: {  	s18 =	sshll.u32 s0, $0xA;
	s2 =	sadd.s32 s3, s2  }
0x8d: {  	s2 =	sadd.s32 s2, s18  }
0x8e: {  	[smem:$0x3FC6] =	sst s2  }
0x8f: {  	_ = 	snop  }
0x90: {  	s2 =	sld [smem:$0x3FD0];
	(tm) =	ssettm $0x1  }
0x91: {  	s19 =	sld [smem:$0x3FFB];
	_ =	sdelay $0x3  }
0x92: {  	_ =	strace s19  }
0x93: {  	s3 =	sld [smem:$0x3FFC];
	_ =	sdelay $0x3  }
0x94: {  	_ =	strace s3  }
0x95: {  	s3 =	sld [smem:$0x3FFD];
	_ =	sdelay $0x3  }
0x96: {  	_ =	strace s3  }
0x97: {  	_ =	strace $0x8FFFFFFF  }
0x98: {  	s20 =	sld [smem:$0x3FDB];
	_ =	sdelay $0x1  }
0x99: {  	s4 =	simm.s32 $_scs_section_size  }
0x9a: {  	s5 =	simm.s32 $_size__tile_overlayer_lowered;
	s6 =	simm.s32 $_tile_overlayer_lowered  }
0x9b: {  	s23 =	simm.s32 $0x1BFF;
	s22 =	sshll.u32 s6, $0x1;
	s3 =	sadd.s32 s4, s20  }
0x9c: {  	s7 =	simm.s32 $0x0;
	s21 =	sshll.u32 s5, $0x1;
	s5 =	sadd.s32 s22, s3  }
0x9d: {  	[timem:s7], [sflag:s23] =	dma.local [hbm:s5], s21  }
0x9e: {  	_ =	swait.ge [sflag:s23], s21  }
0x9f: {  	s4 =	ssub.s32 $0x0, s21;
	[sflag:s23] =	ssyncset.done $0x0  }
0xa0: {  	[sflag:s23] =	ssyncadd.s32 s4;
	_ =	sdelay $0x1  }
0xa1: {  	s24 =	simm.s32 $0x1B8B  }
0xa2: {  	_ =	swait.ge [sflag:s24], $0x1  }
0xa3: {  	[sflag:s24] =	ssyncset.done $0x0  }
0xa4: {  	s25 =	simm.s32 $0x1B8E;
	[sflag:s24] =	ssyncadd.s32 $0xFFFFFFFF  }
0xa5: {  	s26 =	simm.s32 $execute0_lowered;
	[smem:$0x3FD2] =	sst s25  }
0xa6: {  	s4 =	sshll.u32 s26, $0x1;
	_ =	strace $0x80000046;
	[dreg:$0x1] =	wrdreg $0xFFFFFFFF  }
0xa7: {  	s28 =	simm.s32 $_size_execute0_lowered;
	s3 =	sadd.s32 s3, s4;
	[dreg:$0x0] =	wrdreg $0x0  }
0xa8: {  	s4 =	sshll.u32 s28, $0x1;
	[dreg:$0x2] =	wrdreg s3  }
0xa9: {  	[dreg:$0x3] =	wrdreg s4  }
0xaa: {  	[dreg:$0x4] =	wrdreg $0xC0  }
0xab: {  	_ =	task [dreg:s7], $0x5FFFF  }
0xac: {  	[dreg:$0x1] =	wrdreg $0xFFFFFFFF  }
0xad: {  	[dreg:$0x0] =	wrdreg $0x60  }
0xae: {  	[dreg:$0x2] =	wrdreg s2  }
0xaf: {  	[dreg:$0x3] =	wrdreg $0x9  }
0xb0: {  	_ =	task.clear_ibuf [dreg:s7], $0x4FFFF;
	_ =	strace $0x90000046  }
0xb1: {  	s29 =	simm.s32 $0x9;
	_ =	strace $0x80000048  }
0xb2: {  	_ =	swait.ge [sflag:s29], $0x1  }
0xb3: {  	[sflag:s29] =	ssyncadd.s32 $0xFFFFFFFF  }
0xb4: {  	_ =	strace $0x90000048  }
0xb5: {  	_ =	sfence  }
0xb6: {  	s30 =	sld [smem:$0x0];
	_ =	sdelay $0x2  }
0xb7: {  	s31 =	sshll.u32 s1, $0xD;
	s1 =	sshrl.u32 s1, $0x2  }
0xb8: {  	s3 =	sand.u32 $0x4000, s31;
	s1 =	sadd.s32 s1, s30  }
0xb9: {  	s0 =	sor.u32 s3, s0;
	s1 =	sshll.u32 s1, $0x11  }
0xba: {  	s0 =	sor.u32 s1, s0  }
0xbb: {  	s0 =	sadd.s32 $0x8F2B, s0  }
0xbc: {  	[sflag:s0] =	ssyncadd.remote.s32 $0x1  }
0xbd: {  	_ =	sfence.sel $0xFFFF  }
0xbe: {  	[dreg:$0x0] =	wrdreg $0xFFFFFFFF;
	(pc) =	sbr.abs _section_cstart, $3  }
0xbf: {  	[dreg:$0x1] =	wrdreg $0xFFFFFFFF  }
0xc0: {  	_ =	task.clear_ibuf [dreg:s7], $0x2FFFF;
	_ =	strace $0x9FFFFFFF  }
0xc1: {  	(tm) =	ssettm $0x7FFFFFFF  }
tec
execute0_lowered:
.L_overlay_start_1:
0x0: {  	(tag) =	ssettag $0x1  }
0x1: {  	s1 =	srdreg.scid  }
0x2: {  	s4 =	sand.u32 $0x1, s1  }
0x3: {  	s3 =	rddreg [dreg:$0x0];
	s5 =	ssub.s32 $0x2, s4  }
0x4: {  	s0 =	rddreg [dreg:$0x1];
	s2 =	simm.s32 $0x0;
	s6 =	sshrl.u32 s5, $0x1  }
0x5: {  	[smem:$0x7FF] =	sst s2;
	s5 =	ssub.s32 s5, s6  }
0x6: {  	s1 =	stileid.u32;
	s4 =	sshll.u32 s4, $0x8;
	s7 =	smax.u32 s5, $0x1  }
0x7: {  	s31 =	sshll.u32 s1, $0x9;
	_ =	strace $0x80000047;
	p0 =	sne.s32 s7, $0x1  }
.Ltmp0:
0x8: {  	s3 =	sadd.s32 s3, s4;
	s4 =	simm.s32 $0x80;
	(pc) =	sbr.rel @!p0 .LBB2_2-.Ltmp0, $4  }
0x9: {  	s3 =	sadd.s32 s31, s3;
	s6 =	simm.s32 $0x200;
	s5 =	simm.s32 $0x1  }
0xa: {  	[hbm4b:s3+s4] =	stream.strided.scatter [tilespmem:s2], [sflag:$0x1], $0x200, s6, s4, $0x38;
	[tilespmem:$0x200] =	vst v63  }
0xb: {  	_ =	swait.ge [sflag:s5], $0x200  }
0xc: {  	s7 =	sadd.s32 $0xFFFFFFFF, s7;
	[sflag:s5] =	ssyncset.done $0x0  }
.LBB2_1:
0xd: {  	p0 =	sne.s32 s7, $0x1;
	s7 =	sadd.s32 $0xFFFFFFFF, s7;
	[sflag:s5] =	ssyncadd.s32 $0xFFFFFE00  }
.Ltmp1:
0xe: {  	(pc) =	sbr.rel @p0 .LBB2_1-.Ltmp1, $4  }
0xf: {  	_ = 	snop  }
0x10: {  	[hbm4b:s3+s4] =	stream.strided.scatter [tilespmem:s2], [sflag:$0x1], $0x200, s6, s4, $0x38;
	[tilespmem:$0x200] =	vst v63  }
0x11: {  	_ =	swait.ge [sflag:s5], $0x200  }
0x12: {  	[sflag:s5] =	ssyncset.done $0x0  }
.LBB2_2:
0x13: {  	[sflag:s5] =	ssyncadd.s32 $0xFFFFFE00  }
0x14: {  	_ =	sfence.sel $0x180000  }
0x15: {  	[bflag:$0x0] =	sbarrier.arrive $0xFFFF  }
0x16: {  	p0 =	sne.s32 s1, $0x0;
	_ =	strace $0x90000047  }
0x17: {  	s0 =	sadd.s32 @!p0 $0x100000, s0;
	[bflag:$0x2] =	sbarrier.arrive $0xFFFF  }
0x18: {  	[sflag:s0] =	ssyncadd.tile.s32 @!p0 $0x1;
	_ =	shalt  }
.Lfunc_end2:
_tile_overlayer_lowered:
.L_overlay_start_2:
0x19: {  	(tag) =	ssettag $0x2  }
0x1a: {  	s0 =	rddreg [dreg:$0x0];
	s2 =	stileid.u32  }
0x1b: {  	s1 =	rddreg [dreg:$0x1];
	p0 =	sne.s32 s2, $0x0  }
0x1c: {  	s3 =	rddreg [dreg:$0x2];
	[bflag:$0x3] =	sbarrier.arrive $0xFFFF;
	s2 =	simm.s32 @!p0 $0x1C01  }
0x1d: {  	[timem:s3], [sflag:s2] =	dma.local @!p0 [hbm:s0], s1  }
0x1e: {  	s0 =	simm.s32 @!p0 $0x1  }
0x1f: {  	_ =	swait.ge @!p0 [sflag:s0], s1  }
0x20: {  	s1 =	ssub.s32 @!p0 $0x0, s1;
	[sflag:s0] =	ssyncset.done @!p0 $0x0  }
0x21: {  	[sflag:s0] =	ssyncadd.s32 @!p0 s1  }
0x22: {  	[bflag:$0x3] =	sbarrier.arrive $0xFFFF  }
0x23: {  	_ =	shalt  }

</sc_bundles>
